<compile_context>
chip_gen: v7x
topology: tpu7x:2x2x1
jax: 0.10.2.dev20260603
libtpu: 0.0.44.dev20260713+nightly
codegen_flags: <defaults>
</compile_context>

<pallas_src>
import functools

import jax
import jax.numpy as jnp
from jax import lax
from jax.experimental import pallas as pl
from jax.experimental.pallas import tpu as pltpu
from jax.experimental.pallas import tpu_sc as plsc

F = 26
V = 100000
D = 32
B = 16384
NC, NS = 2, 16
NW = NC * NS
NR = F * D
RPW = NR // NW
HB = B // 2

_mesh = plsc.VectorSubcoreMesh(
    core_axis_name="c", subcore_axis_name="s", num_cores=NC, num_subcores=NS
)


@functools.partial(
    pl.kernel,
    out_type=jax.ShapeDtypeStruct((NR, B), jnp.float32),
    mesh=_mesh,
    scratch_types=[
        pltpu.VMEM((V,), jnp.float32),
        pltpu.VMEM((B,), jnp.int32),
        pltpu.VMEM((HB,), jnp.float32),
        pltpu.SemaphoreType.DMA,
        pltpu.SemaphoreType.DMA,
        pltpu.SemaphoreType.DMA,
    ],
    compiler_params=pltpu.CompilerParams(needs_layout_passes=False),
)
def _emb(tab, idx, out, row_v, idx_v, dst_v, sem_r, sem_i, sem_o):
    wid = lax.axis_index("s") * NC + lax.axis_index("c")
    j0 = wid * RPW

    @pl.loop(0, RPW, init_carry=jnp.int32(-1))
    def _row(r, f_loaded):
        j = j0 + r
        f = j // D
        d = lax.rem(j, D)
        cp_r = pltpu.async_copy(tab.at[f, d, pl.ds(0, V)], row_v, sem_r)

        @pl.when(f != f_loaded)
        def _():
            pltpu.async_copy(idx.at[f], idx_v, sem_i).wait()

        cp_r.wait()
        for h in range(2):
            if h == 1:
                pltpu.make_async_copy(
                    dst_v, out.at[j, pl.ds(0, HB)], sem_o
                ).wait()
            else:
                @pl.when(r > 0)
                def _():
                    pltpu.make_async_copy(
                        dst_v, out.at[j, pl.ds(0, HB)], sem_o
                    ).wait()

            @plsc.parallel_loop(0, HB // 16, unroll=16)
            def _g(t):
                iv = idx_v[pl.ds(h * HB + t * 16, 16)]
                dst_v[pl.ds(t * 16, 16)] = plsc.load_gather(row_v, [iv])

            pltpu.async_copy(dst_v, out.at[j, pl.ds(h * HB, HB)], sem_o)

        return f

    pltpu.make_async_copy(dst_v, out.at[NR - 1, pl.ds(HB, HB)], sem_o).wait()


def kernel(index_list, tables):
    tab_t = tables.transpose(0, 2, 1)
    idx_t = index_list.astype(jnp.int32).T
    out_t = _emb(tab_t, idx_t)
    return out_t.T

# --- scband reference (transcript-rebuilt; emitter-appended) ---
"""Pipeline reference for scband-multi-embedding-67585605370565 (READ-ONLY COPY).

The authoritative reference and input builder live on the scoring server;
editing this copy changes nothing except your own understanding.
"""

import jax, jax.numpy as jnp
import numpy as np

N_FIELDS = 26
VOCAB = 100000
EMB_DIM = 32
BATCH = 16384

def _xavier_uniform(key, shape):
    fan_in, fan_out = shape[0], shape[1]
    a = float(np.sqrt(6.0 / (fan_in + fan_out)))
    return jax.random.uniform(key, shape, dtype=jnp.float32, minval=-a, maxval=a)

def setup_inputs(seed: int = 0) -> dict:
    key = jax.random.key(seed)
    k_idx, k_tab = jax.random.split(key)
    index_list = jax.random.randint(k_idx, (BATCH, N_FIELDS), 0, VOCAB, dtype=jnp.int64 if jax.config.jax_enable_x64 else jnp.int32)
    tab_keys = jax.random.split(k_tab, N_FIELDS)
    tables = jnp.stack([_xavier_uniform(tab_keys[i], (VOCAB, EMB_DIM)) for i in range(N_FIELDS)], axis=0)
    return {"index_list": index_list, "tables": tables}

def reference(index_list, tables):
    # torch: concat([emb_i(index_list[..., i]) for i], dim=-1), normalization=None
    # gathered[b, f, :] = tables[f, index_list[b, f], :]
    gathered = tables[jnp.arange(N_FIELDS)[None, :], index_list]  # [B, F, D]
    emb = gathered.reshape(index_list.shape[0], N_FIELDS * EMB_DIM)
    return emb

if __name__ == "__main__":
    import jax
    _d = setup_inputs()
    print(jax.jit(kernel)(*tuple(_d.values())))

</pallas_src>

<mosaic_0001>
#map = affine_map<(d0, d1) -> (0, 0, 0)>
#map1 = affine_map<(d0, d1) -> (0, 0)>
module attributes {stable_mosaic.version = 14 : i64} {
  func.func @_emb(%arg0: i32, %arg1: i32, %arg2: memref<26x32x100000xf32, #tpu.memory_space<hbm>>, %arg3: memref<26x16384xi32, #tpu.memory_space<hbm>>, %arg4: memref<832x16384xf32, #tpu.memory_space<hbm>>, %arg5: memref<100000xf32, #tpu.memory_space<vmem>>, %arg6: memref<16384xi32, #tpu.memory_space<vmem>>, %arg7: memref<8192xf32, #tpu.memory_space<vmem>>, %arg8: memref<!tpu.dma_semaphore, #tpu.memory_space<semaphore_mem>>, %arg9: memref<!tpu.dma_semaphore, #tpu.memory_space<semaphore_mem>>, %arg10: memref<!tpu.dma_semaphore, #tpu.memory_space<semaphore_mem>>) attributes {dimension_semantics = [#tpu.dimension_semantics<core_parallel>, #tpu.dimension_semantics<subcore_parallel>], iteration_bounds = array<i64: 2, 16>, scalar_prefetch = 0 : i64, scratch_operands = 6 : i64, tpu.core_type = #tpu.core_type<sc_vector_subcore>, window_params = [{transform_indices = #map}, {transform_indices = #map1}, {transform_indices = #map1}]} {
    %mul3A = arith.constant 2 : i32
    %mul3A_0 = arith.muli %arg1, %mul3A : i32
    %add3A = arith.addi %mul3A_0, %arg0 : i32
    %mul3A_1 = arith.constant 26 : i32
    %mul3A_2 = arith.muli %add3A, %mul3A_1 : i32
    %scan3A = arith.constant -1 : i32
    %scan3A_3 = arith.constant 0 : i32
    %scan3A_4 = arith.constant 26 : i32
    %scan3A_5 = arith.addi %scan3A_3, %scan3A_4 : i32
    %scan3A_6 = arith.constant 1 : i32
    %scan3A_7 = scf.for %scan3A_15 = %scan3A_3 to %scan3A_5 step %scan3A_6 iter_args(%scan3A_16 = %scan3A) -> (i32)  : i32 {
      %mul3A_17 = arith.constant 1 : i32
      %mul3A_18 = arith.muli %scan3A_15, %mul3A_17 : i32
      %add3A_19 = arith.constant 0 : i32
      %add3A_20 = arith.addi %add3A_19, %mul3A_18 : i32
      %add3A_21 = arith.addi %mul3A_2, %add3A_20 : i32
      %jit3A = arith.constant 32 : i32
      %div3A = arith.divsi %add3A_21, %jit3A : i32
      %sign3A = arith.constant 0 : i32
      %sign3A_22 = arith.cmpi sgt, %add3A_21, %sign3A : i32
      %sign3A_23 = arith.extui %sign3A_22 : i1 to i32
      %sign3A_24 = arith.constant 0 : i32
      %sign3A_25 = arith.cmpi slt, %add3A_21, %sign3A_24 : i32
      %sign3A_26 = arith.extui %sign3A_25 : i1 to i32
      %sign3A_27 = arith.subi %sign3A_23, %sign3A_26 : i32
      %sign3A_28 = arith.constant 0 : i32
      %sign3A_29 = arith.cmpi sgt, %jit3A, %sign3A_28 : i32
      %sign3A_30 = arith.extui %sign3A_29 : i1 to i32
      %sign3A_31 = arith.constant 0 : i32
      %sign3A_32 = arith.cmpi slt, %jit3A, %sign3A_31 : i32
      %sign3A_33 = arith.extui %sign3A_32 : i1 to i32
      %sign3A_34 = arith.subi %sign3A_30, %sign3A_33 : i32
      %ne3A = arith.cmpi ne, %sign3A_27, %sign3A_34 : i32
      %rem3A = arith.remsi %add3A_21, %jit3A : i32
      %ne3A_35 = arith.constant 0 : i32
      %ne3A_36 = arith.cmpi ne, %rem3A, %ne3A_35 : i32
      %and3A = arith.andi %ne3A, %ne3A_36 : i1
      %sub3A = arith.constant 1 : i32
      %sub3A_37 = arith.subi %div3A, %sub3A : i32
      %select_n3A = arith.select %and3A, %sub3A_37, %div3A : i32
      %rem3A_38 = arith.constant 32 : i32
      %rem3A_39 = arith.remsi %add3A_21, %rem3A_38 : i32
      %dma_start3A = arith.constant 0 : i32
      %dma_start3A_40 = tpu.memref_slice %arg2[%select_n3A, %rem3A_39, %dma_start3A] : memref<26x32x100000xf32, #tpu.memory_space<hbm>> -> memref<1x1x100000xf32, #tpu.memory_space<hbm>>
      %dma_start3A_41 = tpu.memref_squeeze %dma_start3A_40 : memref<1x1x100000xf32, #tpu.memory_space<hbm>> -> memref<100000xf32, #tpu.memory_space<hbm>>
      %dma_start3A_42 = arith.constant 0 : i32
      %dma_start3A_43 = tpu.memref_slice %arg2[%select_n3A, %rem3A_39, %dma_start3A_42] : memref<26x32x100000xf32, #tpu.memory_space<hbm>> -> memref<1x1x100000xf32, #tpu.memory_space<hbm>>
      %dma_start3A_44 = tpu.memref_squeeze %dma_start3A_43 : memref<1x1x100000xf32, #tpu.memory_space<hbm>> -> memref<100000xf32, #tpu.memory_space<hbm>>
      tpu.enqueue_dma source(%dma_start3A_44 : memref<100000xf32, #tpu.memory_space<hbm>>) target(%arg5 : memref<100000xf32, #tpu.memory_space<vmem>>) target_semaphore(%arg8 : memref<!tpu.dma_semaphore, #tpu.memory_space<semaphore_mem>>)
      %ne3A_45 = arith.cmpi ne, %select_n3A, %scan3A_16 : i32
      %convert_element_type3A = arith.extui %ne3A_45 : i1 to i32
      %cond3A = arith.constant 0 : i32
      %cond3A_46 = arith.cmpi ne, %convert_element_type3A, %cond3A : i32
      scf.if %cond3A_46 {
        %dma_start3A_80 = arith.constant 0 : i32
        %dma_start3A_81 = tpu.memref_slice %arg3[%select_n3A, %dma_start3A_80] : memref<26x16384xi32, #tpu.memory_space<hbm>> -> memref<1x16384xi32, #tpu.memory_space<hbm>>
        %dma_start3A_82 = tpu.memref_squeeze %dma_start3A_81 : memref<1x16384xi32, #tpu.memory_space<hbm>> -> memref<16384xi32, #tpu.memory_space<hbm>>
        %dma_start3A_83 = arith.constant 0 : i32
        %dma_start3A_84 = tpu.memref_slice %arg3[%select_n3A, %dma_start3A_83] : memref<26x16384xi32, #tpu.memory_space<hbm>> -> memref<1x16384xi32, #tpu.memory_space<hbm>>
        %dma_start3A_85 = tpu.memref_squeeze %dma_start3A_84 : memref<1x16384xi32, #tpu.memory_space<hbm>> -> memref<16384xi32, #tpu.memory_space<hbm>>
        tpu.enqueue_dma source(%dma_start3A_85 : memref<16384xi32, #tpu.memory_space<hbm>>) target(%arg6 : memref<16384xi32, #tpu.memory_space<vmem>>) target_semaphore(%arg9 : memref<!tpu.dma_semaphore, #tpu.memory_space<semaphore_mem>>)
        %dma_wait3A_86 = arith.constant 0 : i32
        %dma_wait3A_87 = tpu.memref_slice %arg3[%select_n3A, %dma_wait3A_86] : memref<26x16384xi32, #tpu.memory_space<hbm>> -> memref<1x16384xi32, #tpu.memory_space<hbm>>
        %dma_wait3A_88 = tpu.memref_squeeze %dma_wait3A_87 : memref<1x16384xi32, #tpu.memory_space<hbm>> -> memref<16384xi32, #tpu.memory_space<hbm>>
        %dma_wait3A_89 = arith.constant 0 : i32
        %dma_wait3A_90 = tpu.memref_slice %arg3[%select_n3A, %dma_wait3A_89] : memref<26x16384xi32, #tpu.memory_space<hbm>> -> memref<1x16384xi32, #tpu.memory_space<hbm>>
        %dma_wait3A_91 = tpu.memref_squeeze %dma_wait3A_90 : memref<1x16384xi32, #tpu.memory_space<hbm>> -> memref<16384xi32, #tpu.memory_space<hbm>>
        tpu.wait_dma2 semaphore(%arg9 : memref<!tpu.dma_semaphore, #tpu.memory_space<semaphore_mem>>) src(%dma_wait3A_91 : memref<16384xi32, #tpu.memory_space<hbm>>) dst(%arg6 : memref<16384xi32, #tpu.memory_space<vmem>>)
      } else {
      }
      %dma_wait3A_47 = arith.constant 0 : i32
      %dma_wait3A_48 = tpu.memref_slice %arg2[%select_n3A, %rem3A_39, %dma_wait3A_47] : memref<26x32x100000xf32, #tpu.memory_space<hbm>> -> memref<1x1x100000xf32, #tpu.memory_space<hbm>>
      %dma_wait3A_49 = tpu.memref_squeeze %dma_wait3A_48 : memref<1x1x100000xf32, #tpu.memory_space<hbm>> -> memref<100000xf32, #tpu.memory_space<hbm>>
      %dma_wait3A_50 = arith.constant 0 : i32
      %dma_wait3A_51 = tpu.memref_slice %arg2[%select_n3A, %rem3A_39, %dma_wait3A_50] : memref<26x32x100000xf32, #tpu.memory_space<hbm>> -> memref<1x1x100000xf32, #tpu.memory_space<hbm>>
      %dma_wait3A_52 = tpu.memref_squeeze %dma_wait3A_51 : memref<1x1x100000xf32, #tpu.memory_space<hbm>> -> memref<100000xf32, #tpu.memory_space<hbm>>
      tpu.wait_dma2 semaphore(%arg8 : memref<!tpu.dma_semaphore, #tpu.memory_space<semaphore_mem>>) src(%dma_wait3A_52 : memref<100000xf32, #tpu.memory_space<hbm>>) dst(%arg5 : memref<100000xf32, #tpu.memory_space<vmem>>)
      %gt3A = arith.constant 0 : i32
      %gt3A_53 = arith.cmpi sgt, %add3A_20, %gt3A : i32
      %convert_element_type3A_54 = arith.extui %gt3A_53 : i1 to i32
      %cond3A_55 = arith.constant 0 : i32
      %cond3A_56 = arith.cmpi ne, %convert_element_type3A_54, %cond3A_55 : i32
      scf.if %cond3A_56 {
        %dma_wait3A_80 = arith.constant 0 : i32
        %dma_wait3A_81 = tpu.memref_slice %arg4[%add3A_21, %dma_wait3A_80] : memref<832x16384xf32, #tpu.memory_space<hbm>> -> memref<1x8192xf32, #tpu.memory_space<hbm>>
        %dma_wait3A_82 = tpu.memref_squeeze %dma_wait3A_81 : memref<1x8192xf32, #tpu.memory_space<hbm>> -> memref<8192xf32, #tpu.memory_space<hbm>>
        %dma_wait3A_83 = arith.constant 0 : i32
        %dma_wait3A_84 = tpu.memref_slice %arg4[%add3A_21, %dma_wait3A_83] : memref<832x16384xf32, #tpu.memory_space<hbm>> -> memref<1x8192xf32, #tpu.memory_space<hbm>>
        %dma_wait3A_85 = tpu.memref_squeeze %dma_wait3A_84 : memref<1x8192xf32, #tpu.memory_space<hbm>> -> memref<8192xf32, #tpu.memory_space<hbm>>
        tpu.wait_dma2 semaphore(%arg10 : memref<!tpu.dma_semaphore, #tpu.memory_space<semaphore_mem>>) src(%arg7 : memref<8192xf32, #tpu.memory_space<vmem>>) dst(%dma_wait3A_85 : memref<8192xf32, #tpu.memory_space<hbm>>)
      } else {
      }
      %parallel_loop3A = arith.constant 0 : i32
      %parallel_loop3A_57 = arith.constant 512 : i32
      %parallel_loop3A_58 = arith.constant 1 : i32
      scf.for %parallel_loop3A_80 = %parallel_loop3A to %parallel_loop3A_57 step %parallel_loop3A_58  : i32 {
        %parallel_loop3A_81 = arith.constant 16 : i32
        %parallel_loop3A_82 = arith.muli %parallel_loop3A_80, %parallel_loop3A_81 : i32
        %parallel_loop3A_83 = arith.constant 0 : i32
        %parallel_loop3A_84 = arith.addi %parallel_loop3A_83, %parallel_loop3A_82 : i32
        %parallel_loop3A_85 = arith.index_cast %parallel_loop3A_84 : i32 to index
        %parallel_loop3A_86 = tpu.vector_load %arg6[%parallel_loop3A_85] {strides = array<i32>} : memref<16384xi32, #tpu.memory_space<vmem>>, vector<16xi32>,
        %parallel_loop3A_87 = tpu.vector_load_idx %arg5[%parallel_loop3A_86] : memref<100000xf32, #tpu.memory_space<vmem>>[vector<16xi32>], vector<16xf32>,
        %parallel_loop3A_88 = arith.constant 16 : i32
        %parallel_loop3A_89 = arith.muli %parallel_loop3A_80, %parallel_loop3A_88 : i32
        %parallel_loop3A_90 = arith.index_cast %parallel_loop3A_89 : i32 to index
        %parallel_loop3A_91 = tpu.vector_load %arg7[%parallel_loop3A_90] {strides = array<i32>} : memref<8192xf32, #tpu.memory_space<vmem>>, vector<16xf32>,
        tpu.vector_store %arg7[%parallel_loop3A_90], %parallel_loop3A_87 {strides = array<i32>} : memref<8192xf32, #tpu.memory_space<vmem>>, vector<16xf32>,
      } {sc.loop_unroll_factor = 16 : i64, sc.parallel_access}
      %dma_start3A_59 = arith.constant 0 : i32
      %dma_start3A_60 = tpu.memref_slice %arg4[%add3A_21, %dma_start3A_59] : memref<832x16384xf32, #tpu.memory_space<hbm>> -> memref<1x8192xf32, #tpu.memory_space<hbm>>
      %dma_start3A_61 = tpu.memref_squeeze %dma_start3A_60 : memref<1x8192xf32, #tpu.memory_space<hbm>> -> memref<8192xf32, #tpu.memory_space<hbm>>
      %dma_start3A_62 = arith.constant 0 : i32
      %dma_start3A_63 = tpu.memref_slice %arg4[%add3A_21, %dma_start3A_62] : memref<832x16384xf32, #tpu.memory_space<hbm>> -> memref<1x8192xf32, #tpu.memory_space<hbm>>
      %dma_start3A_64 = tpu.memref_squeeze %dma_start3A_63 : memref<1x8192xf32, #tpu.memory_space<hbm>> -> memref<8192xf32, #tpu.memory_space<hbm>>
      tpu.enqueue_dma source(%arg7 : memref<8192xf32, #tpu.memory_space<vmem>>) target(%dma_start3A_64 : memref<8192xf32, #tpu.memory_space<hbm>>) target_semaphore(%arg10 : memref<!tpu.dma_semaphore, #tpu.memory_space<semaphore_mem>>)
      %dma_wait3A_65 = arith.constant 0 : i32
      %dma_wait3A_66 = tpu.memref_slice %arg4[%add3A_21, %dma_wait3A_65] : memref<832x16384xf32, #tpu.memory_space<hbm>> -> memref<1x8192xf32, #tpu.memory_space<hbm>>
      %dma_wait3A_67 = tpu.memref_squeeze %dma_wait3A_66 : memref<1x8192xf32, #tpu.memory_space<hbm>> -> memref<8192xf32, #tpu.memory_space<hbm>>
      %dma_wait3A_68 = arith.constant 0 : i32
      %dma_wait3A_69 = tpu.memref_slice %arg4[%add3A_21, %dma_wait3A_68] : memref<832x16384xf32, #tpu.memory_space<hbm>> -> memref<1x8192xf32, #tpu.memory_space<hbm>>
      %dma_wait3A_70 = tpu.memref_squeeze %dma_wait3A_69 : memref<1x8192xf32, #tpu.memory_space<hbm>> -> memref<8192xf32, #tpu.memory_space<hbm>>
      tpu.wait_dma2 semaphore(%arg10 : memref<!tpu.dma_semaphore, #tpu.memory_space<semaphore_mem>>) src(%arg7 : memref<8192xf32, #tpu.memory_space<vmem>>) dst(%dma_wait3A_70 : memref<8192xf32, #tpu.memory_space<hbm>>)
      %parallel_loop3A_71 = arith.constant 0 : i32
      %parallel_loop3A_72 = arith.constant 512 : i32
      %parallel_loop3A_73 = arith.constant 1 : i32
      scf.for %parallel_loop3A_80 = %parallel_loop3A_71 to %parallel_loop3A_72 step %parallel_loop3A_73  : i32 {
        %parallel_loop3A_81 = arith.constant 16 : i32
        %parallel_loop3A_82 = arith.muli %parallel_loop3A_80, %parallel_loop3A_81 : i32
        %parallel_loop3A_83 = arith.constant 8192 : i32
        %parallel_loop3A_84 = arith.addi %parallel_loop3A_83, %parallel_loop3A_82 : i32
        %parallel_loop3A_85 = arith.index_cast %parallel_loop3A_84 : i32 to index
        %parallel_loop3A_86 = tpu.vector_load %arg6[%parallel_loop3A_85] {strides = array<i32>} : memref<16384xi32, #tpu.memory_space<vmem>>, vector<16xi32>,
        %parallel_loop3A_87 = tpu.vector_load_idx %arg5[%parallel_loop3A_86] : memref<100000xf32, #tpu.memory_space<vmem>>[vector<16xi32>], vector<16xf32>,
        %parallel_loop3A_88 = arith.constant 16 : i32
        %parallel_loop3A_89 = arith.muli %parallel_loop3A_80, %parallel_loop3A_88 : i32
        %parallel_loop3A_90 = arith.index_cast %parallel_loop3A_89 : i32 to index
        %parallel_loop3A_91 = tpu.vector_load %arg7[%parallel_loop3A_90] {strides = array<i32>} : memref<8192xf32, #tpu.memory_space<vmem>>, vector<16xf32>,
        tpu.vector_store %arg7[%parallel_loop3A_90], %parallel_loop3A_87 {strides = array<i32>} : memref<8192xf32, #tpu.memory_space<vmem>>, vector<16xf32>,
      } {sc.loop_unroll_factor = 16 : i64, sc.parallel_access}
      %dma_start3A_74 = arith.constant 8192 : i32
      %dma_start3A_75 = tpu.memref_slice %arg4[%add3A_21, %dma_start3A_74] : memref<832x16384xf32, #tpu.memory_space<hbm>> -> memref<1x8192xf32, #tpu.memory_space<hbm>>
      %dma_start3A_76 = tpu.memref_squeeze %dma_start3A_75 : memref<1x8192xf32, #tpu.memory_space<hbm>> -> memref<8192xf32, #tpu.memory_space<hbm>>
      %dma_start3A_77 = arith.constant 8192 : i32
      %dma_start3A_78 = tpu.memref_slice %arg4[%add3A_21, %dma_start3A_77] : memref<832x16384xf32, #tpu.memory_space<hbm>> -> memref<1x8192xf32, #tpu.memory_space<hbm>>
      %dma_start3A_79 = tpu.memref_squeeze %dma_start3A_78 : memref<1x8192xf32, #tpu.memory_space<hbm>> -> memref<8192xf32, #tpu.memory_space<hbm>>
      tpu.enqueue_dma source(%arg7 : memref<8192xf32, #tpu.memory_space<vmem>>) target(%dma_start3A_79 : memref<8192xf32, #tpu.memory_space<hbm>>) target_semaphore(%arg10 : memref<!tpu.dma_semaphore, #tpu.memory_space<semaphore_mem>>)
      scf.yield %select_n3A : i32
    }
    %scan3A_8 = arith.constant 26 : i32
    %dma_wait3A = arith.constant 831 : i32
    %dma_wait3A_9 = arith.constant 8192 : i32
    %dma_wait3A_10 = tpu.memref_slice %arg4[%dma_wait3A, %dma_wait3A_9] : memref<832x16384xf32, #tpu.memory_space<hbm>> -> memref<1x8192xf32, #tpu.memory_space<hbm>>
    %dma_wait3A_11 = tpu.memref_squeeze %dma_wait3A_10 : memref<1x8192xf32, #tpu.memory_space<hbm>> -> memref<8192xf32, #tpu.memory_space<hbm>>
    %dma_wait3A_12 = arith.constant 8192 : i32
    %dma_wait3A_13 = tpu.memref_slice %arg4[%dma_wait3A, %dma_wait3A_12] : memref<832x16384xf32, #tpu.memory_space<hbm>> -> memref<1x8192xf32, #tpu.memory_space<hbm>>
    %dma_wait3A_14 = tpu.memref_squeeze %dma_wait3A_13 : memref<1x8192xf32, #tpu.memory_space<hbm>> -> memref<8192xf32, #tpu.memory_space<hbm>>
    tpu.wait_dma2 semaphore(%arg10 : memref<!tpu.dma_semaphore, #tpu.memory_space<semaphore_mem>>) src(%arg7 : memref<8192xf32, #tpu.memory_space<vmem>>) dst(%dma_wait3A_14 : memref<8192xf32, #tpu.memory_space<hbm>>)
    return
  }
}

</mosaic_0001>

<sc_bundles>
// kernel: kernel.3.cloned.1.call-start
scs
__scs_entry_jumppad:
0x0: {  	(pc) =	sbr.rel $0x88, $3  }
0x1: {  	(tag) =	ssettag $0x0;
	lr =	simm.s32 $0x1  }
0x2: {  	[smem:$0x3F9F] =	sst lr;
	_ =	strace $0xD0000000  }
0x3: {  	_ = 	snop  }
0x4: {  	_ = 	snop  }
0x5: {  	_ = 	snop  }
0x6: {  	_ = 	snop  }
0x7: {  	_ = 	snop  }
__scs_overlays_trampoline_lowered:
0x8: {  	[smem:$0x3FAE] =	sst s0  }
0x9: {  	[smem:$0x3FAF] =	sst s1  }
0xa: {  	[smem:$0x3FB0] =	sst s2  }
0xb: {  	[smem:$0x3FB1] =	sst s3  }
0xc: {  	[smem:$0x3FB2] =	sst s4  }
0xd: {  	[smem:$0x3FB3] =	sst s5  }
0xe: {  	[smem:$0x3FB4] =	sst s6  }
0xf: {  	[smem:$0x3FB5] =	sst s7  }
0x10: {  	[smem:$0x3FB6] =	sst s8  }
0x11: {  	[smem:$0x3FB7] =	sst s9;
	s0 =	simm.s32 @!p0 $0x0  }
0x12: {  	s1 =	sld [smem:$0x3F9D];
	s0 =	simm.s32 @p0 $0x1  }
0x13: {  	[smem:$0x3FB8] =	sst s0;
	s0 =	simm.s32 @!p1 $0x0  }
0x14: {  	s2 =	sld [smem:$0x3F9C];
	s0 =	simm.s32 @p1 $0x1  }
0x15: {  	[smem:$0x3FB9] =	sst s0;
	s0 =	simm.s32 @!p2 $0x0  }
0x16: {  	s3 =	sld [smem:$0x3FDB];
	s0 =	simm.s32 @p2 $0x1  }
0x17: {  	s4 =	simm.s32 $0x1BF5;
	[smem:$0x3FBB] =	sst s0  }
0x18: {  	s0 =	sld [smem:$0x3F9E];
	_ =	swait.ge [sflag:s4], $0x0  }
0x19: {  	s7 =	sld [smem:$0x3F9F]  }
0x1a: {  	s8 =	sadd.s32 $0xFFFFE003, lr  }
0x1b: {  	s9 =	sadd.s32 $0xFFFFFEF7, lr;
	s5 =	simm.s32 $0xFFFFFFFF;
	p2 =	slt.u32 s8, $0xFFFFF086  }
0x1c: {  	p1 =	slt.u32 s9, $0xF7A;
	s5 =	simm.s32 @!p2 $0x0  }
0x1d: {  	s5 =	simm.s32 @p1 $0x1;
	p0 =	seq.s32 s7, s2  }
0x1e: {  	s7 =	smul.u32 @!p0 $0xF7A, s2;
	p2 =	seq.s32 @!p0 s5, $0x0  }
0x1f: {  	s9 =	smul.u32 $0xF7A, s1;
	s8 =	simm.s32 @!p0 $0x1BF5;
	p2 =	por !p2, p0  }
0x20: {  	[sflag:s8] =	ssyncset.s32 @!p0 $0xFFFFF086;
	s6 =	sadd.s32 @!p0 s3, s7;
	s7 =	simm.s32 @!p0 $0x108  }
0x21: {  	s3 =	sadd.s32 s3, s9;
	s6 =	sadd.s32 @!p0 $0x88, s6;
	s7 =	simm.s32 @p2 $0x1082  }
0x22: {  	[simem:s7], [sflag:s8] =	dma.local @!p0 [hbm:s6], $0xF7A  }
0x23: {  	s9 =	sor.u32 $0xD0000000, s2;
	s6 =	simm.s32 $0x108;
	_ =	swait.ge @!p0 [sflag:s8], $0x0  }
0x24: {  	s3 =	sadd.s32 $0x88, s3;
	s6 =	simm.s32 @!p1 $0x1082;
	[sflag:s4] =	ssyncset.s32 $0xFFFFF086  }
0x25: {  	[simem:s6], [sflag:s4] =	dma.local [hbm:s3], $0xF7A  }
0x26: {  	[smem:$0x3F9F] =	sst s1;
	(tag) =	ssettag s2;
	_ =	strace s9  }
0x27: {  	s1 =	sld [smem:$0x3FAF]  }
0x28: {  	s2 =	sld [smem:$0x3FB0]  }
0x29: {  	s4 =	sld [smem:$0x3FB2]  }
0x2a: {  	p0 =	seq.s32 s5, $0x0;
	s5 =	sld [smem:$0x3FB3]  }
0x2b: {  	s6 =	sld [smem:$0x3FB4]  }
0x2c: {  	s7 =	sld [smem:$0x3FB5]  }
0x2d: {  	s3 =	simm.s32 $0x108;
	s8 =	sld [smem:$0x3FB6]  }
0x2e: {  	s3 =	simm.s32 @!p0 $0x1082;
	s9 =	sld [smem:$0x3FB7]  }
0x2f: {  	lr =	sadd.s32 s0, s3;
	s0 =	sld [smem:$0x3FAE]  }
0x30: {  	s3 =	sld [smem:$0x3FB1]  }
0x31: {  	[smem:$0x3FBA] =	sst s10  }
0x32: {  	s10 =	sld [smem:$0x3FB8];
	_ =	sdelay $0x3  }
0x33: {  	p0 =	seq.s32 s10, $0x1;
	s10 =	sld [smem:$0x3FBA];
	_ =	sdelay $0x3  }
0x34: {  	[smem:$0x3FBA] =	sst s10  }
0x35: {  	s10 =	sld [smem:$0x3FB9];
	_ =	sdelay $0x3  }
0x36: {  	p1 =	seq.s32 s10, $0x1;
	s10 =	sld [smem:$0x3FBA];
	_ =	sdelay $0x3  }
0x37: {  	[smem:$0x3FBA] =	sst s10  }
0x38: {  	s10 =	sld [smem:$0x3FBB]  }
0x39: {  	_ = 	snop;
	(pc) =	sbr.ind lr, $3  }
0x3a: {  	_ = 	snop  }
0x3b: {  	_ = 	snop  }
0x3c: {  	p2 =	seq.s32 s10, $0x1;
	s10 =	sld [smem:$0x3FBA]  }
0x3d: {  	_ =	shalt  }
0x3e: {  	_ =	shalt  }
0x3f: {  	_ =	shalt  }
0x40: {  	_ =	shalt  }
0x41: {  	_ =	shalt  }
0x42: {  	_ =	shalt  }
0x43: {  	_ =	shalt  }
0x44: {  	_ =	shalt  }
0x45: {  	_ =	shalt  }
0x46: {  	_ =	shalt  }
0x47: {  	_ =	shalt  }
0x48: {  	_ =	shalt  }
0x49: {  	_ =	shalt  }
0x4a: {  	_ =	shalt  }
0x4b: {  	_ =	shalt  }
0x4c: {  	_ =	shalt  }
0x4d: {  	_ =	shalt  }
0x4e: {  	_ =	shalt  }
0x4f: {  	_ =	shalt  }
0x50: {  	_ =	shalt  }
0x51: {  	_ =	shalt  }
0x52: {  	_ =	shalt  }
0x53: {  	_ =	shalt  }
0x54: {  	_ =	shalt  }
0x55: {  	_ =	shalt  }
0x56: {  	_ =	shalt  }
0x57: {  	_ =	shalt  }
0x58: {  	_ =	shalt  }
0x59: {  	_ =	shalt  }
0x5a: {  	_ =	shalt  }
0x5b: {  	_ =	shalt  }
0x5c: {  	_ =	shalt  }
0x5d: {  	_ =	shalt  }
0x5e: {  	_ =	shalt  }
0x5f: {  	_ =	shalt  }
0x60: {  	_ =	shalt  }
0x61: {  	_ =	shalt  }
0x62: {  	_ =	shalt  }
0x63: {  	_ =	shalt  }
0x64: {  	_ =	shalt  }
0x65: {  	_ =	shalt  }
0x66: {  	_ =	shalt  }
0x67: {  	_ =	shalt  }
0x68: {  	_ =	shalt  }
0x69: {  	_ =	shalt  }
0x6a: {  	_ =	shalt  }
0x6b: {  	_ =	shalt  }
0x6c: {  	_ =	shalt  }
0x6d: {  	_ =	shalt  }
0x6e: {  	_ =	shalt  }
0x6f: {  	_ =	shalt  }
0x70: {  	_ =	shalt  }
0x71: {  	_ =	shalt  }
0x72: {  	_ =	shalt  }
0x73: {  	_ =	shalt  }
0x74: {  	_ =	shalt  }
0x75: {  	_ =	shalt  }
0x76: {  	_ =	shalt  }
0x77: {  	_ =	shalt  }
0x78: {  	_ =	shalt  }
0x79: {  	_ =	shalt  }
0x7a: {  	_ =	shalt  }
0x7b: {  	_ =	shalt  }
0x7c: {  	_ =	shalt  }
0x7d: {  	_ =	shalt  }
0x7e: {  	_ =	shalt  }
0x7f: {  	_ =	shalt  }
0x80: {  	_ =	shalt  }
0x81: {  	_ =	shalt  }
0x82: {  	_ =	shalt  }
0x83: {  	_ =	shalt  }
0x84: {  	_ =	shalt  }
0x85: {  	_ =	shalt  }
0x86: {  	_ =	shalt  }
0x87: {  	_ =	shalt  }
.Lfunc_end0:
.L_simem_size_0:
called_computation_lowered:
.L_overlay_start_0:
0x88: {  	s2 =	sld [smem:$0x3FD9]  }
0x89: {  	s3 =	sld [smem:$0x3FFE];
	_ =	sdelay $0x1  }
0x8a: {  	s1 =	srdreg.scid  }
0x8b: {  	s0 =	sand.u32 $0x1, s1  }
0x8c: {  	s18 =	sshll.u32 s0, $0xA;
	s2 =	sadd.s32 s3, s2  }
0x8d: {  	s2 =	sadd.s32 s2, s18  }
0x8e: {  	[smem:$0x3FC6] =	sst s2  }
0x8f: {  	_ = 	snop  }
0x90: {  	s2 =	sld [smem:$0x3FC9]  }
0x91: {  	s19 =	sld [smem:$0x3FC8]  }
0x92: {  	s4 =	sld [smem:$0x3FD0];
	(tm) =	ssettm $0x1  }
0x93: {  	s5 =	sld [smem:$0x3FFB];
	_ =	sdelay $0x3  }
0x94: {  	_ =	strace s5  }
0x95: {  	s5 =	sld [smem:$0x3FFC];
	_ =	sdelay $0x3  }
0x96: {  	_ =	strace s5  }
0x97: {  	s5 =	sld [smem:$0x3FFD];
	_ =	sdelay $0x3  }
0x98: {  	_ =	strace s5  }
0x99: {  	_ =	strace $0x8FFFFFFF  }
0x9a: {  	s20 =	sld [smem:$0x3FDB];
	_ =	sdelay $0x1  }
0x9b: {  	s6 =	simm.s32 $_scs_section_size  }
0x9c: {  	s7 =	simm.s32 $_size__tile_overlayer_lowered;
	s8 =	simm.s32 $_tile_overlayer_lowered  }
0x9d: {  	s23 =	simm.s32 $0x1BFF;
	s22 =	sshll.u32 s8, $0x1;
	s5 =	sadd.s32 s6, s20  }
0x9e: {  	s9 =	simm.s32 $0x0;
	s21 =	sshll.u32 s7, $0x1;
	s7 =	sadd.s32 s22, s5  }
0x9f: {  	[timem:s9], [sflag:s23] =	dma.local [hbm:s7], s21  }
0xa0: {  	_ =	swait.ge [sflag:s23], s21  }
0xa1: {  	s6 =	ssub.s32 $0x0, s21;
	[sflag:s23] =	ssyncset.done $0x0  }
0xa2: {  	[sflag:s23] =	ssyncadd.s32 s6;
	_ =	sdelay $0x1  }
0xa3: {  	s24 =	simm.s32 $0x1B8B  }
0xa4: {  	_ =	swait.ge [sflag:s24], $0x1  }
0xa5: {  	[sflag:s24] =	ssyncset.done $0x0  }
0xa6: {  	s25 =	simm.s32 $0x1B8E;
	[sflag:s24] =	ssyncadd.s32 $0xFFFFFFFF  }
0xa7: {  	s26 =	simm.s32 $execute0_lowered;
	[smem:$0x3FD2] =	sst s25  }
0xa8: {  	s6 =	sshll.u32 s26, $0x1;
	_ =	strace $0x80000046;
	[dreg:$0x1] =	wrdreg $0xFFFFFFFF  }
0xa9: {  	s28 =	simm.s32 $_size_execute0_lowered;
	s5 =	sadd.s32 s5, s6;
	[dreg:$0x0] =	wrdreg $0x0  }
0xaa: {  	s6 =	sshll.u32 s28, $0x1;
	[dreg:$0x2] =	wrdreg s5  }
0xab: {  	[dreg:$0x3] =	wrdreg s6  }
0xac: {  	[dreg:$0x4] =	wrdreg $0xC0  }
0xad: {  	_ =	task [dreg:s9], $0x5FFFF  }
0xae: {  	[dreg:$0x1] =	wrdreg $0xFFFFFFFF  }
0xaf: {  	[dreg:$0x0] =	wrdreg $0x60  }
0xb0: {  	[dreg:$0x2] =	wrdreg s19  }
0xb1: {  	[dreg:$0x3] =	wrdreg s2  }
0xb2: {  	[dreg:$0x4] =	wrdreg s4  }
0xb3: {  	[dreg:$0x5] =	wrdreg $0x9  }
0xb4: {  	_ =	task.clear_ibuf [dreg:s9], $0x6FFFF;
	_ =	strace $0x90000046  }
0xb5: {  	s29 =	simm.s32 $0x9;
	_ =	strace $0x80000048  }
0xb6: {  	_ =	swait.ge [sflag:s29], $0x1  }
0xb7: {  	[sflag:s29] =	ssyncadd.s32 $0xFFFFFFFF  }
0xb8: {  	_ =	strace $0x90000048  }
0xb9: {  	_ =	sfence  }
0xba: {  	s30 =	sld [smem:$0x0];
	_ =	sdelay $0x2  }
0xbb: {  	s31 =	sshll.u32 s1, $0xD;
	s1 =	sshrl.u32 s1, $0x2  }
0xbc: {  	s3 =	sand.u32 $0x4000, s31;
	s1 =	sadd.s32 s1, s30  }
0xbd: {  	s0 =	sor.u32 s3, s0;
	s1 =	sshll.u32 s1, $0x11  }
0xbe: {  	s0 =	sor.u32 s1, s0  }
0xbf: {  	s0 =	sadd.s32 $0x8F2B, s0  }
0xc0: {  	[sflag:s0] =	ssyncadd.remote.s32 $0x1  }
0xc1: {  	_ =	sfence.sel $0xFFFF  }
0xc2: {  	[dreg:$0x0] =	wrdreg $0xFFFFFFFF;
	(pc) =	sbr.abs _section_cstart, $3  }
0xc3: {  	[dreg:$0x1] =	wrdreg $0xFFFFFFFF  }
0xc4: {  	_ =	task.clear_ibuf [dreg:s9], $0x2FFFF;
	_ =	strace $0x9FFFFFFF  }
0xc5: {  	(tm) =	ssettm $0x7FFFFFFF  }
tec
execute0_lowered:
.L_overlay_start_1:
0x0: {  	(tag) =	ssettag $0x1  }
0x1: {  	s1 =	rddreg [dreg:$0x0]  }
0x2: {  	s2 =	rddreg [dreg:$0x1]  }
0x3: {  	s3 =	rddreg [dreg:$0x2]  }
0x4: {  	s4 =	srdreg.scid;
	s0 =	rddreg [dreg:$0x3];
	s5 =	simm.s32 $0x0  }
0x5: {  	s10 =	simm.s32 $0x400;
	s11 =	simm.s32 $0x1;
	s12 =	simm.s32 $0x1C700  }
0x6: {  	s13 =	simm.s32 $0x3;
	s14 =	simm.s32 $0x0;
	s6 =	sand.u32 $0x1, s4  }
0x7: {  	s4 =	stileid.u32;
	[smem:$0x7FF] =	sst s5;
	s7 =	ssub.s32 $0x2, s6  }
0x8: {  	s9 =	sshll.u32 s4, $0x1;
	_ =	strace $0x80000047;
	s8 =	sshrl.u32 s7, $0x1  }
0x9: {  	s6 =	sor.u32 s6, s9;
	s9 =	simm.s32 $0x80;
	s8 =	ssub.s32 s7, s8  }
0xa: {  	s6 =	smul.u32 $0x1A, s6;
	s7 =	sadd.s32 $0x2000, s3;
	s8 =	smax.u32 s8, $0x1  }
.LBB2_1:
0xb: {  	s16 =	simm.s32 $0xFFFFFFFF;
	s15 =	simm.s32 $0x0  }
.LBB2_2:
0xc: {  	s17 =	sadd.s32 s6, s15  }
0xd: {  	s18 =	smov.u32 s16;
	s16 =	sshrl.u32 s17, $0x5;
	s19 =	sand.u32 $0x18, s17  }
0xe: {  	s20 =	smul.u32 $0x30E000, s16;
	s19 =	sshrl.u32 s19, $0x3  }
0xf: {  	s19 =	smul.u32 $0xC3800, s19  }
0x10: {  	s21 =	sshll.u32 s17, $0x7  }
0x11: {  	s30 =	sand.u32 $0x380, s21;
	s19 =	sadd.s32 s20, s19  }
0x12: {  	s19 =	sor.u32 s30, s19  }
0x13: {  	p0 =	seq.s32 s16, s18;
	s19 =	sshrl.u32 s19, $0x3  }
0x14: {  	s18 =	sshll.u32 @!p0 s16, $0x4;
	s19 =	sadd.s32 s1, s19  }
0x15: {  	[tilespmem:s5], [sflag:$0x1] =	stream.strided.gather [hbm4b:s19+s9], $0x18700, s10, s9, $0x38;
	[tilespmem:$0x1E700] =	vst v63  }
0x16: {  	s18 =	sand.u32 @!p0 $0x70, s18;
	s19 =	sshll.u32 @!p0 s16, $0xB  }
0x17: {  	s21 =	simm.s32 @!p0 $0x18700;
	s18 =	sadd.s32 @!p0 s2, s18;
	s19 =	sand.u32 @!p0 $0xFFFC000, s19  }
0x18: {  	s20 =	simm.s32 @!p0 $0x400;
	s18 =	sadd.s32 @!p0 s19, s18;
	s19 =	simm.s32 @!p0 $0x80  }
0x19: {  	[tilespmem:s21], [sflag:$0x2] =	stream.strided.gather @!p0 [hbm4b:s18+s19], $0x4000, s20, s19, $0x38;
	[tilespmem:$0x1E700] =	vst v63  }
0x1a: {  	s18 =	simm.s32 @!p0 $0x2  }
0x1b: {  	_ =	swait.ge @!p0 [sflag:s18], $0x4000  }
0x1c: {  	[sflag:s18] =	ssyncset.done @!p0 $0x0  }
0x1d: {  	[sflag:s18] =	ssyncadd.s32 @!p0 $0xFFFFC000  }
0x1e: {  	_ =	swait.ge [sflag:s11], $0x18700  }
0x1f: {  	p0 =	seq.s32 s15, $0x0;
	[sflag:s11] =	ssyncset.done $0x0  }
0x20: {  	s18 =	simm.s32 @!p0 $0x3;
	[sflag:s11] =	ssyncadd.s32 $0xFFFE7900  }
0x21: {  	_ =	swait.ge @!p0 [sflag:s18], $0x2000  }
0x22: {  	[sflag:s18] =	ssyncset.done @!p0 $0x0  }
0x23: {  	s31 =	simm.s32 $0x18780;
	[sflag:s18] =	ssyncadd.s32 @!p0 $0xFFFFE000  }
0x24: {  	v0 =	vld [tilespmem:s31+$0x70]  }
0x25: {  	v1 =	vld [tilespmem:s31+$0xFFFFFF90]  }
0x26: {  	v2 =	vld [tilespmem:s31+$0xFFFFFFA0]  }
0x27: {  	v3 =	vld [tilespmem:s31+$0xFFFFFFB0]  }
0x28: {  	v4 =	vld [tilespmem:s31+$0xFFFFFFC0]  }
0x29: {  	v5 =	vld [tilespmem:s31+$0xFFFFFFD0]  }
0x2a: {  	v6 =	vld [tilespmem:s31+$0xFFFFFFE0]  }
0x2b: {  	v7 =	vld [tilespmem:s31+$0xFFFFFFF0]  }
0x2c: {  	v8 =	vld [tilespmem:s31+$0x0]  }
0x2d: {  	v9 =	vld [tilespmem:s31+$0x10]  }
0x2e: {  	v10 =	vld [tilespmem:s31+$0x20]  }
0x2f: {  	v11 =	vld [tilespmem:s31+$0x30]  }
0x30: {  	v12 =	vld [tilespmem:s31+$0x40]  }
0x31: {  	v13 =	vld [tilespmem:s31+$0x50]  }
0x32: {  	v14 =	vld [tilespmem:s31+$0x60]  }
0x33: {  	v15 =	vld [tilespmem:s31+$0xFFFFFF80]  }
0x34: {  	v0 =	vld.idx.msk [tilespmem:v0+s5+$0x0], $0xffff  }
0x35: {  	v1 =	vld.idx.msk [tilespmem:v1+s5+$0x0], $0xffff  }
0x36: {  	v2 =	vld.idx.msk [tilespmem:v2+s5+$0x0], $0xffff  }
0x37: {  	v3 =	vld.idx.msk [tilespmem:v3+s5+$0x0], $0xffff  }
0x38: {  	v4 =	vld.idx.msk [tilespmem:v4+s5+$0x0], $0xffff  }
0x39: {  	s18 =	simm.s32 $0x1C780;
	v5 =	vld.idx.msk [tilespmem:v5+s5+$0x0], $0xffff  }
0x3a: {  	v8 =	vld.idx.msk [tilespmem:v8+s5+$0x0], $0xffff;
	[tilespmem:s18+$0x70] =	vst v0  }
0x3b: {  	v0 =	vld.idx.msk [tilespmem:v6+s5+$0x0], $0xffff;
	[tilespmem:s18+$0xFFFFFF90] =	vst v1  }
0x3c: {  	v6 =	vld.idx.msk [tilespmem:v7+s5+$0x0], $0xffff;
	[tilespmem:s18+$0xFFFFFFA0] =	vst v2  }
0x3d: {  	v7 =	vld.idx.msk [tilespmem:v15+s5+$0x0], $0xffff;
	[tilespmem:s18+$0xFFFFFFB0] =	vst v3  }
0x3e: {  	[tilespmem:s18+$0xFFFFFFC0] =	vst v4;
	v1 =	vld.idx.msk [tilespmem:v9+s5+$0x0], $0xffff  }
0x3f: {  	[tilespmem:s18+$0xFFFFFFD0] =	vst v5;
	v2 =	vld.idx.msk [tilespmem:v10+s5+$0x0], $0xffff  }
0x40: {  	v5 =	vld.idx.msk [tilespmem:v11+s5+$0x0], $0xffff;
	[tilespmem:s18+$0x0] =	vst v8  }
0x41: {  	v3 =	vld.idx.msk [tilespmem:v12+s5+$0x0], $0xffff;
	[tilespmem:s18+$0xFFFFFFE0] =	vst v0  }
0x42: {  	v4 =	vld.idx.msk [tilespmem:v14+s5+$0x0], $0xffff;
	[tilespmem:s18+$0xFFFFFFF0] =	vst v6  }
0x43: {  	s19 =	simm.s32 $0x0;
	s20 =	simm.s32 $0x18880;
	[tilespmem:s18+$0xFFFFFF80] =	vst v7;
	v0 =	vld.idx.msk [tilespmem:v13+s5+$0x0], $0xffff  }
.LBB2_3:
0x44: {  	v6 =	vld [tilespmem:s20+$0x70];
	s19 =	sadd.s32 $0x10, s19;
	[tilespmem:s18+$0x10] =	vst v1  }
0x45: {  	v1 =	vld [tilespmem:s20+$0xFFFFFF90];
	p0 =	slt.u32 s19, $0x1F0;
	[tilespmem:s18+$0x20] =	vst v2  }
0x46: {  	v2 =	vld [tilespmem:s20+$0xFFFFFFA0];
	[tilespmem:s18+$0x30] =	vst v5  }
0x47: {  	v5 =	vld [tilespmem:s20+$0xFFFFFFB0];
	[tilespmem:s18+$0x40] =	vst v3  }
0x48: {  	v3 =	vld [tilespmem:s20+$0xFFFFFFC0];
	[tilespmem:s18+$0x50] =	vst v0  }
0x49: {  	v0 =	vld [tilespmem:s20+$0xFFFFFFD0];
	[tilespmem:s18+$0x60] =	vst v4  }
0x4a: {  	v4 =	vld [tilespmem:s20+$0xFFFFFFE0]  }
0x4b: {  	v7 =	vld [tilespmem:s20+$0xFFFFFFF0]  }
0x4c: {  	v6 =	vld.idx.msk [tilespmem:v6+s5+$0x0], $0xffff  }
0x4d: {  	v8 =	vld [tilespmem:s20+$0x0]  }
0x4e: {  	v9 =	vld [tilespmem:s20+$0x10]  }
0x4f: {  	v10 =	vld [tilespmem:s20+$0x20]  }
0x50: {  	v11 =	vld [tilespmem:s20+$0x30]  }
0x51: {  	s18 =	sadd.s32 $0x100, s18;
	v12 =	vld [tilespmem:s20+$0x40]  }
0x52: {  	v13 =	vld [tilespmem:s20+$0x50];
	[tilespmem:s18+$0x70] =	vst v6  }
0x53: {  	v6 =	vld [tilespmem:s20+$0x60]  }
0x54: {  	v14 =	vld [tilespmem:s20+$0xFFFFFF80]  }
0x55: {  	v1 =	vld.idx.msk [tilespmem:v1+s5+$0x0], $0xffff  }
0x56: {  	v2 =	vld.idx.msk [tilespmem:v2+s5+$0x0], $0xffff  }
0x57: {  	v5 =	vld.idx.msk [tilespmem:v5+s5+$0x0], $0xffff  }
0x58: {  	v3 =	vld.idx.msk [tilespmem:v3+s5+$0x0], $0xffff  }
0x59: {  	v0 =	vld.idx.msk [tilespmem:v0+s5+$0x0], $0xffff  }
0x5a: {  	v4 =	vld.idx.msk [tilespmem:v4+s5+$0x0], $0xffff  }
0x5b: {  	[tilespmem:s18+$0xFFFFFF90] =	vst v1;
	v7 =	vld.idx.msk [tilespmem:v7+s5+$0x0], $0xffff  }
0x5c: {  	v14 =	vld.idx.msk [tilespmem:v14+s5+$0x0], $0xffff;
	[tilespmem:s18+$0xFFFFFFA0] =	vst v2  }
0x5d: {  	[tilespmem:s18+$0xFFFFFFB0] =	vst v5;
	v8 =	vld.idx.msk [tilespmem:v8+s5+$0x0], $0xffff  }
0x5e: {  	[tilespmem:s18+$0xFFFFFFC0] =	vst v3;
	v1 =	vld.idx.msk [tilespmem:v9+s5+$0x0], $0xffff  }
.Ltmp0:
0x5f: {  	[tilespmem:s18+$0xFFFFFFD0] =	vst v0;
	v2 =	vld.idx.msk [tilespmem:v10+s5+$0x0], $0xffff;
	(pc) =	sbr.rel @p0 .LBB2_3-.Ltmp0, $4  }
0x60: {  	[tilespmem:s18+$0xFFFFFFE0] =	vst v4;
	v5 =	vld.idx.msk [tilespmem:v11+s5+$0x0], $0xffff  }
0x61: {  	[tilespmem:s18+$0xFFFFFFF0] =	vst v7;
	v3 =	vld.idx.msk [tilespmem:v12+s5+$0x0], $0xffff  }
0x62: {  	[tilespmem:s18+$0xFFFFFF80] =	vst v14;
	v0 =	vld.idx.msk [tilespmem:v13+s5+$0x0], $0xffff  }
0x63: {  	s20 =	sadd.s32 $0x100, s20;
	[tilespmem:s18+$0x0] =	vst v8;
	v4 =	vld.idx.msk [tilespmem:v6+s5+$0x0], $0xffff  }
0x64: {  	[tilespmem:s18+$0x10] =	vst v1  }
0x65: {  	[tilespmem:s18+$0x20] =	vst v2  }
0x66: {  	s19 =	sshll.u32 s17, $0xB;
	s29 =	sshll.u32 s17, $0x4;
	[tilespmem:s18+$0x30] =	vst v5  }
0x67: {  	s19 =	sand.u32 $0xFFFC000, s19;
	s17 =	sand.u32 $0x70, s29;
	[tilespmem:s18+$0x40] =	vst v3  }
0x68: {  	s17 =	sor.u32 s17, s19;
	[tilespmem:s18+$0x50] =	vst v0  }
0x69: {  	s30 =	sadd.s32 s3, s17;
	[tilespmem:s18+$0x60] =	vst v4  }
0x6a: {  	[hbm4b:s30+s9] =	stream.strided.scatter [tilespmem:s12], [sflag:$0x3], $0x2000, s10, s9, $0x38;
	[tilespmem:$0x1E700] =	vst v63  }
0x6b: {  	_ =	swait.ge [sflag:s13], $0x2000  }
0x6c: {  	[sflag:s13] =	ssyncset.done $0x0  }
0x6d: {  	s31 =	simm.s32 $0x1A7F0;
	[sflag:s13] =	ssyncadd.s32 $0xFFFFE000  }
0x6e: {  	v0 =	vld [tilespmem:s31+$0x0]  }
0x6f: {  	v1 =	vld [tilespmem:s31+$0xFFFFFF20]  }
0x70: {  	v2 =	vld [tilespmem:s31+$0xFFFFFF30]  }
0x71: {  	v3 =	vld [tilespmem:s31+$0xFFFFFF40]  }
0x72: {  	v4 =	vld [tilespmem:s31+$0xFFFFFF50]  }
0x73: {  	v5 =	vld [tilespmem:s31+$0xFFFFFF60]  }
0x74: {  	v6 =	vld [tilespmem:s31+$0xFFFFFF70]  }
0x75: {  	v7 =	vld [tilespmem:s31+$0xFFFFFF80]  }
0x76: {  	v8 =	vld [tilespmem:s31+$0xFFFFFF90]  }
0x77: {  	v9 =	vld [tilespmem:s31+$0xFFFFFFA0]  }
0x78: {  	v10 =	vld [tilespmem:s31+$0xFFFFFFB0]  }
0x79: {  	v11 =	vld [tilespmem:s31+$0xFFFFFFC0]  }
0x7a: {  	v12 =	vld [tilespmem:s31+$0xFFFFFFD0]  }
0x7b: {  	v13 =	vld [tilespmem:s31+$0xFFFFFFE0]  }
0x7c: {  	v14 =	vld [tilespmem:s31+$0xFFFFFFF0]  }
0x7d: {  	v15 =	vld [tilespmem:s31+$0xFFFFFF10]  }
0x7e: {  	v0 =	vld.idx.msk [tilespmem:v0+s5+$0x0], $0xffff  }
0x7f: {  	v1 =	vld.idx.msk [tilespmem:v1+s5+$0x0], $0xffff  }
0x80: {  	v2 =	vld.idx.msk [tilespmem:v2+s5+$0x0], $0xffff  }
0x81: {  	v3 =	vld.idx.msk [tilespmem:v3+s5+$0x0], $0xffff  }
0x82: {  	v4 =	vld.idx.msk [tilespmem:v4+s5+$0x0], $0xffff  }
0x83: {  	s18 =	simm.s32 $0x1C780;
	v5 =	vld.idx.msk [tilespmem:v5+s5+$0x0], $0xffff  }
0x84: {  	v6 =	vld.idx.msk [tilespmem:v6+s5+$0x0], $0xffff;
	[tilespmem:s18+$0x70] =	vst v0  }
0x85: {  	v7 =	vld.idx.msk [tilespmem:v7+s5+$0x0], $0xffff;
	[tilespmem:s18+$0xFFFFFF90] =	vst v1  }
0x86: {  	v15 =	vld.idx.msk [tilespmem:v15+s5+$0x0], $0xffff;
	[tilespmem:s18+$0xFFFFFFA0] =	vst v2  }
0x87: {  	v8 =	vld.idx.msk [tilespmem:v8+s5+$0x0], $0xffff;
	[tilespmem:s18+$0xFFFFFFB0] =	vst v3  }
0x88: {  	[tilespmem:s18+$0xFFFFFFC0] =	vst v4;
	v0 =	vld.idx.msk [tilespmem:v9+s5+$0x0], $0xffff  }
0x89: {  	[tilespmem:s18+$0xFFFFFFD0] =	vst v5;
	v1 =	vld.idx.msk [tilespmem:v10+s5+$0x0], $0xffff  }
0x8a: {  	[tilespmem:s18+$0xFFFFFFE0] =	vst v6;
	v2 =	vld.idx.msk [tilespmem:v11+s5+$0x0], $0xffff  }
0x8b: {  	[tilespmem:s18+$0xFFFFFFF0] =	vst v7;
	v3 =	vld.idx.msk [tilespmem:v12+s5+$0x0], $0xffff  }
0x8c: {  	[tilespmem:s18+$0xFFFFFF80] =	vst v15;
	v4 =	vld.idx.msk [tilespmem:v13+s5+$0x0], $0xffff  }
0x8d: {  	s20 =	simm.s32 $0x1A8F0;
	s19 =	simm.s32 $0x0;
	[tilespmem:s18+$0x0] =	vst v8;
	v5 =	vld.idx.msk [tilespmem:v14+s5+$0x0], $0xffff  }
.LBB2_5:
0x8e: {  	v6 =	vld [tilespmem:s20+$0x0];
	s19 =	sadd.s32 $0x10, s19;
	[tilespmem:s18+$0x10] =	vst v0  }
0x8f: {  	v0 =	vld [tilespmem:s20+$0xFFFFFF20];
	p0 =	slt.u32 s19, $0x1F0;
	[tilespmem:s18+$0x20] =	vst v1  }
0x90: {  	v1 =	vld [tilespmem:s20+$0xFFFFFF30];
	[tilespmem:s18+$0x30] =	vst v2  }
0x91: {  	v2 =	vld [tilespmem:s20+$0xFFFFFF40];
	[tilespmem:s18+$0x40] =	vst v3  }
0x92: {  	v3 =	vld [tilespmem:s20+$0xFFFFFF50];
	[tilespmem:s18+$0x50] =	vst v4  }
0x93: {  	v4 =	vld [tilespmem:s20+$0xFFFFFF60];
	[tilespmem:s18+$0x60] =	vst v5  }
0x94: {  	v5 =	vld [tilespmem:s20+$0xFFFFFF70]  }
0x95: {  	v7 =	vld [tilespmem:s20+$0xFFFFFF80]  }
0x96: {  	v6 =	vld.idx.msk [tilespmem:v6+s5+$0x0], $0xffff  }
0x97: {  	v8 =	vld [tilespmem:s20+$0xFFFFFF90]  }
0x98: {  	v9 =	vld [tilespmem:s20+$0xFFFFFFA0]  }
0x99: {  	v10 =	vld [tilespmem:s20+$0xFFFFFFB0]  }
0x9a: {  	v11 =	vld [tilespmem:s20+$0xFFFFFFC0]  }
0x9b: {  	s18 =	sadd.s32 $0x100, s18;
	v12 =	vld [tilespmem:s20+$0xFFFFFFD0]  }
0x9c: {  	v13 =	vld [tilespmem:s20+$0xFFFFFFE0];
	[tilespmem:s18+$0x70] =	vst v6  }
0x9d: {  	v6 =	vld [tilespmem:s20+$0xFFFFFFF0]  }
0x9e: {  	v14 =	vld [tilespmem:s20+$0xFFFFFF10]  }
0x9f: {  	v0 =	vld.idx.msk [tilespmem:v0+s5+$0x0], $0xffff  }
0xa0: {  	v1 =	vld.idx.msk [tilespmem:v1+s5+$0x0], $0xffff  }
0xa1: {  	v2 =	vld.idx.msk [tilespmem:v2+s5+$0x0], $0xffff  }
0xa2: {  	v3 =	vld.idx.msk [tilespmem:v3+s5+$0x0], $0xffff  }
0xa3: {  	v4 =	vld.idx.msk [tilespmem:v4+s5+$0x0], $0xffff  }
0xa4: {  	v5 =	vld.idx.msk [tilespmem:v5+s5+$0x0], $0xffff  }
0xa5: {  	[tilespmem:s18+$0xFFFFFF90] =	vst v0;
	v7 =	vld.idx.msk [tilespmem:v7+s5+$0x0], $0xffff  }
0xa6: {  	v14 =	vld.idx.msk [tilespmem:v14+s5+$0x0], $0xffff;
	[tilespmem:s18+$0xFFFFFFA0] =	vst v1  }
0xa7: {  	[tilespmem:s18+$0xFFFFFFB0] =	vst v2;
	v8 =	vld.idx.msk [tilespmem:v8+s5+$0x0], $0xffff  }
0xa8: {  	[tilespmem:s18+$0xFFFFFFC0] =	vst v3;
	v0 =	vld.idx.msk [tilespmem:v9+s5+$0x0], $0xffff  }
.Ltmp1:
0xa9: {  	[tilespmem:s18+$0xFFFFFFD0] =	vst v4;
	v1 =	vld.idx.msk [tilespmem:v10+s5+$0x0], $0xffff;
	(pc) =	sbr.rel @p0 .LBB2_5-.Ltmp1, $4  }
0xaa: {  	[tilespmem:s18+$0xFFFFFFE0] =	vst v5;
	v2 =	vld.idx.msk [tilespmem:v11+s5+$0x0], $0xffff  }
0xab: {  	[tilespmem:s18+$0xFFFFFFF0] =	vst v7;
	v3 =	vld.idx.msk [tilespmem:v12+s5+$0x0], $0xffff  }
0xac: {  	[tilespmem:s18+$0xFFFFFF80] =	vst v14;
	v4 =	vld.idx.msk [tilespmem:v13+s5+$0x0], $0xffff  }
0xad: {  	s20 =	sadd.s32 $0x100, s20;
	[tilespmem:s18+$0x0] =	vst v8;
	v5 =	vld.idx.msk [tilespmem:v6+s5+$0x0], $0xffff  }
0xae: {  	[tilespmem:s18+$0x10] =	vst v0;
	s15 =	sadd.s32 $0x1, s15  }
0xaf: {  	[tilespmem:s18+$0x20] =	vst v1;
	p0 =	sne.s32 s15, $0x1A  }
.Ltmp2:
0xb0: {  	[tilespmem:s18+$0x30] =	vst v2;
	(pc) =	sbr.rel @p0 .LBB2_2-.Ltmp2, $4  }
0xb1: {  	[tilespmem:s18+$0x40] =	vst v3  }
0xb2: {  	[tilespmem:s18+$0x50] =	vst v4  }
0xb3: {  	s17 =	sadd.s32 s17, s7;
	[tilespmem:s18+$0x60] =	vst v5  }
0xb4: {  	[hbm4b:s17+s9] =	stream.strided.scatter [tilespmem:s12], [sflag:$0x3], $0x2000, s10, s9, $0x38;
	[tilespmem:$0x1E700] =	vst v63  }
0xb5: {  	s14 =	sadd.s32 $0x1, s14  }
0xb6: {  	p0 =	sne.s32 s14, s8  }
.Ltmp3:
0xb7: {  	_ = 	snop;
	(pc) =	sbr.rel @p0 .LBB2_1-.Ltmp3, $4  }
0xb8: {  	_ = 	snop  }
0xb9: {  	_ =	swait.ge [sflag:s13], $0x2000  }
0xba: {  	[sflag:s13] =	ssyncset.done $0x0  }
0xbb: {  	[sflag:s13] =	ssyncadd.s32 $0xFFFFE000  }
0xbc: {  	_ =	sfence.sel $0x180000  }
0xbd: {  	[bflag:$0x0] =	sbarrier.arrive $0xFFFF  }
0xbe: {  	p0 =	sne.s32 s4, $0x0;
	_ =	strace $0x90000047  }
0xbf: {  	s0 =	sadd.s32 @!p0 $0x100000, s0;
	[bflag:$0x2] =	sbarrier.arrive $0xFFFF  }
0xc0: {  	[sflag:s0] =	ssyncadd.tile.s32 @!p0 $0x1;
	_ =	shalt  }
.Lfunc_end2:
_tile_overlayer_lowered:
.L_overlay_start_2:
0xc1: {  	(tag) =	ssettag $0x2  }
0xc2: {  	s0 =	rddreg [dreg:$0x0];
	s2 =	stileid.u32  }
0xc3: {  	s1 =	rddreg [dreg:$0x1];
	p0 =	sne.s32 s2, $0x0  }
0xc4: {  	s3 =	rddreg [dreg:$0x2];
	[bflag:$0x3] =	sbarrier.arrive $0xFFFF;
	s2 =	simm.s32 @!p0 $0x1C04  }
0xc5: {  	[timem:s3], [sflag:s2] =	dma.local @!p0 [hbm:s0], s1  }
0xc6: {  	s0 =	simm.s32 @!p0 $0x4  }
0xc7: {  	_ =	swait.ge @!p0 [sflag:s0], s1  }
0xc8: {  	s1 =	ssub.s32 @!p0 $0x0, s1;
	[sflag:s0] =	ssyncset.done @!p0 $0x0  }
0xc9: {  	[sflag:s0] =	ssyncadd.s32 @!p0 s1  }
0xca: {  	[bflag:$0x3] =	sbarrier.arrive $0xFFFF  }
0xcb: {  	_ =	shalt  }

</sc_bundles>
